<compile_context>
chip_gen: v7x
topology: tpu7x:2x2x1
jax: 0.10.2.dev20260603
libtpu: 0.0.44.dev20260713+nightly
codegen_flags: <defaults>
</compile_context>

<pallas_src>
import functools

import jax
import jax.numpy as jnp
from jax import lax
from jax.experimental import pallas as pl
from jax.experimental.pallas import tpu as pltpu
from jax.experimental.pallas import tpu_sc as plsc

VOCAB = 1000000
EMBED = 64
BATCH = 16384
SUPER = 2 * EMBED
NC = 2
NS = 16
NW = NC * NS
PPW = BATCH // NW
CHUNK = 128
NCH = PPW // CHUNK
L = 16
NG = CHUNK // L
GPW = PPW // L


def _sc_body(idx_hbm, par_hbm, table_hbm, dot_hbm, nc_hbm, nx_hbm,
             idx_v, par_v, cen0, ctx0, cen1, ctx1, buf,
             dot_v, ncn_v, nxn_v, sem):
    wid = lax.axis_index("s") * NC + lax.axis_index("c")
    pltpu.sync_copy(idx_hbm.at[pl.ds(wid * NCH, NCH)], idx_v.at[pl.ds(0, NCH)])
    pltpu.sync_copy(idx_hbm.at[pl.ds(BATCH // CHUNK + wid * NCH, NCH)],
                    idx_v.at[pl.ds(NCH, NCH)])
    pltpu.sync_copy(par_hbm.at[pl.ds(wid * GPW, GPW)],
                    par_v.at[pl.ds(0, GPW)])
    pltpu.sync_copy(par_hbm.at[pl.ds(BATCH // L + wid * GPW, GPW)],
                    par_v.at[pl.ds(GPW, GPW)])
    buf[pl.ds(3 * L, L)] = jnp.zeros((L,), jnp.float32)

    cen = (cen0, cen1)
    ctx = (ctx0, ctx1)

    def start(k):
        b = k & 1
        return (pltpu.async_copy(table_hbm.at[idx_v.at[k]], cen[b], sem),
                pltpu.async_copy(table_hbm.at[idx_v.at[NCH + k]], ctx[b], sem))

    iota = lax.iota(jnp.int32, L)
    zeros = jnp.zeros((L,), jnp.float32)

    inflight = start(0)
    for kc in range(NCH):
        nxt = start(kc + 1) if kc + 1 < NCH else None
        for cp in inflight:
            cp.wait()
        cb = cen[kc & 1]
        xb = ctx[kc & 1]

        def gbody(g, _, cb=cb, xb=xb, kc=kc):
            grow = kc * NG + g
            pvc = par_v[grow, pl.ds(0, L)]
            pvx = par_v[GPW + grow, pl.ds(0, L)]
            accd = zeros
            accn = zeros
            accm = zeros
            for k in range(L):
                r = g * L + k
                sc = pvc[k]
                sx = pvx[k]
                d = zeros
                n = zeros
                m = zeros
                for q in range(EMBED // L):
                    clo = cb[r, pl.ds(q * L, L)]
                    chi = cb[r, pl.ds(EMBED + q * L, L)]
                    c = clo + (chi - clo) * sc
                    xlo = xb[r, pl.ds(q * L, L)]
                    xhi = xb[r, pl.ds(EMBED + q * L, L)]
                    x = xlo + (xhi - xlo) * sx
                    d = d + c * x
                    n = n + c * c
                    m = m + x * x
                buf[pl.ds(0, L)] = d
                buf[pl.ds(L, L)] = n
                buf[pl.ds(2 * L, L)] = m
                for s in (8, 4, 2, 1):
                    for b in range(3):
                        v = buf[pl.ds(b * L, L)] + buf[pl.ds(b * L + s, L)]
                        buf[pl.ds(b * L, L)] = v
                dv = buf[pl.ds(0, L)]
                nv = buf[pl.ds(L, L)]
                mv = buf[pl.ds(2 * L, L)]
                accd = jnp.where(iota == k, dv[0], accd)
                accn = jnp.where(iota == k, nv[0], accn)
                accm = jnp.where(iota == k, mv[0], accm)
            dot_v[grow, pl.ds(0, L)] = accd
            ncn_v[grow, pl.ds(0, L)] = accn
            nxn_v[grow, pl.ds(0, L)] = accm
            return 0

        del gbody
        inflight = nxt

    base = wid * GPW
    pltpu.sync_copy(dot_v, dot_hbm.at[pl.ds(base, GPW)])
    pltpu.sync_copy(ncn_v, nc_hbm.at[pl.ds(base, GPW)])
    pltpu.sync_copy(nxn_v, nx_hbm.at[pl.ds(base, GPW)])


@functools.cache
def _build_sc():
    mesh = plsc.VectorSubcoreMesh(
        core_axis_name="c", subcore_axis_name="s",
        num_cores=NC, num_subcores=NS)
    vec = jax.ShapeDtypeStruct((BATCH // L, L), jnp.float32)
    return pl.kernel(
        _sc_body,
        out_type=(vec, vec, vec),
        mesh=mesh,
        scratch_types=[
            pltpu.VMEM((2 * NCH, CHUNK), jnp.int32),
            pltpu.VMEM((2 * GPW, L), jnp.float32),
            pltpu.VMEM((CHUNK, SUPER), jnp.float32),
            pltpu.VMEM((CHUNK, SUPER), jnp.float32),
            pltpu.VMEM((CHUNK, SUPER), jnp.float32),
            pltpu.VMEM((CHUNK, SUPER), jnp.float32),
            pltpu.VMEM((4 * L,), jnp.float32),
            pltpu.VMEM((GPW, L), jnp.float32),
            pltpu.VMEM((GPW, L), jnp.float32),
            pltpu.VMEM((GPW, L), jnp.float32),
            pltpu.SemaphoreType.DMA,
        ],
    )


def _tc_cosine_body(dot_ref, nc_ref, nx_ref, out_ref):
    eps = jnp.float32(1e-12)
    out_ref[...] = (dot_ref[...]
                    * lax.rsqrt(jnp.maximum(nc_ref[...], eps))
                    * lax.rsqrt(jnp.maximum(nx_ref[...], eps)))


@functools.cache
def _build_tc():
    side = 128
    return pl.pallas_call(
        _tc_cosine_body,
        out_shape=jax.ShapeDtypeStruct((side, side), jnp.float32),
    )


def kernel(pair, label, embedding_table):
    del label
    p = pair.reshape(BATCH, 2).astype(jnp.int32)
    idx2d = (p.T >> 1).reshape(2 * BATCH // CHUNK, CHUNK)
    par2d = (p.T & 1).astype(jnp.float32).reshape(2 * BATCH // L, L)
    table128 = embedding_table.reshape(VOCAB // 2, SUPER)
    dot, nc, nx = _build_sc()(idx2d, par2d, table128)
    side = 128
    sim = _build_tc()(dot.reshape(side, side), nc.reshape(side, side),
                      nx.reshape(side, side))
    return sim.reshape(BATCH, 1)

# --- scband reference (transcript-rebuilt; emitter-appended) ---
"""Pipeline reference for scband-word2-vec-89189290868931 (READ-ONLY COPY).

The authoritative reference and input builder live on the scoring server;
editing this copy changes nothing except your own understanding.
"""

import jax, jax.numpy as jnp
import numpy as np

VOCAB = 1000000
EMBED_DIM = 64
BATCH = 16384


def _l2_normalize(x):
    # matches tf.nn.l2_normalize used by keras Dot(normalize=True)
    sq = jnp.sum(x * x, axis=-1, keepdims=True)
    return x * jax.lax.rsqrt(jnp.maximum(sq, 1e-12))


def setup_inputs(seed: int = 0) -> dict:
    key = jax.random.key(seed)
    k1, k2 = jax.random.split(key, 2)
    pair = jax.random.randint(k1, (BATCH, 2), 0, VOCAB)
    label = jnp.ones((BATCH,), dtype=jnp.float32)
    # learned parameter: word embedding table [vocab, embed_dim]
    embedding_table = jax.random.normal(k2, (VOCAB, EMBED_DIM), dtype=jnp.float32) * 0.05
    return {"pair": pair, "label": label, "embedding_table": embedding_table}


def reference(pair, label, embedding_table):
    # Word2Vec.call: pair -> two embedding gathers -> cosine similarity (Dot axes=1, normalize=True)
    p = pair.reshape(-1, 2)
    center = jnp.take(embedding_table, p[:, 0], axis=0)
    context = jnp.take(embedding_table, p[:, 1], axis=0)
    sim = jnp.sum(_l2_normalize(center) * _l2_normalize(context), axis=1, keepdims=True)
    return sim

if __name__ == "__main__":
    import jax
    _d = setup_inputs()
    print(jax.jit(kernel)(*tuple(_d.values())))

</pallas_src>

<mosaic_0001>
#map = affine_map<(d0, d1) -> (0, 0)>
module attributes {stable_mosaic.version = 14 : i64} {
  func.func @_sc_body(%arg0: i32, %arg1: i32, %arg2: memref<256x128xi32, #tpu.memory_space<hbm>>, %arg3: memref<2048x16xf32, #tpu.memory_space<hbm>>, %arg4: memref<500000x128xf32, #tpu.memory_space<hbm>>, %arg5: memref<1024x16xf32, #tpu.memory_space<hbm>>, %arg6: memref<1024x16xf32, #tpu.memory_space<hbm>>, %arg7: memref<1024x16xf32, #tpu.memory_space<hbm>>, %arg8: memref<8x128xi32, #tpu.memory_space<vmem>>, %arg9: memref<64x16xf32, #tpu.memory_space<vmem>>, %arg10: memref<128x128xf32, #tpu.memory_space<vmem>>, %arg11: memref<128x128xf32, #tpu.memory_space<vmem>>, %arg12: memref<128x128xf32, #tpu.memory_space<vmem>>, %arg13: memref<128x128xf32, #tpu.memory_space<vmem>>, %arg14: memref<64xf32, #tpu.memory_space<vmem>>, %arg15: memref<32x16xf32, #tpu.memory_space<vmem>>, %arg16: memref<32x16xf32, #tpu.memory_space<vmem>>, %arg17: memref<32x16xf32, #tpu.memory_space<vmem>>, %arg18: memref<!tpu.dma_semaphore, #tpu.memory_space<semaphore_mem>>) attributes {dimension_semantics = [#tpu.dimension_semantics<core_parallel>, #tpu.dimension_semantics<subcore_parallel>], iteration_bounds = array<i64: 2, 16>, scalar_prefetch = 0 : i64, scratch_operands = 11 : i64, tpu.core_type = #tpu.core_type<sc_vector_subcore>, window_params = [{transform_indices = #map}, {transform_indices = #map}, {transform_indices = #map}, {transform_indices = #map}, {transform_indices = #map}, {transform_indices = #map}]} {
    %mul3A = arith.constant 2 : i32
    %mul3A_0 = arith.muli %arg1, %mul3A : i32
    %add3A = arith.addi %mul3A_0, %arg0 : i32
    %mul3A_1 = arith.constant 4 : i32
    %mul3A_2 = arith.muli %add3A, %mul3A_1 : i32
    "tpu.region"() ({
      %run_scoped3A = tpu.sem_alloc : memref<!tpu.dma_semaphore, #tpu.memory_space<semaphore_mem>>
      %dma_start3A_131 = arith.constant 0 : i32
      %dma_start3A_132 = arith.constant 0 : i32
      %dma_start3A_133 = tpu.memref_slice %arg8[%dma_start3A_131, %dma_start3A_132] : memref<8x128xi32, #tpu.memory_space<vmem>> -> memref<4x128xi32, #tpu.memory_space<vmem>>
      %dma_start3A_134 = arith.constant 0 : i32
      %dma_start3A_135 = tpu.memref_slice %arg2[%mul3A_2, %dma_start3A_134] : memref<256x128xi32, #tpu.memory_space<hbm>> -> memref<4x128xi32, #tpu.memory_space<hbm>>
      %dma_start3A_136 = arith.constant 0 : i32
      %dma_start3A_137 = arith.constant 0 : i32
      %dma_start3A_138 = tpu.memref_slice %arg8[%dma_start3A_136, %dma_start3A_137] : memref<8x128xi32, #tpu.memory_space<vmem>> -> memref<4x128xi32, #tpu.memory_space<vmem>>
      %dma_start3A_139 = arith.constant 0 : i32
      %dma_start3A_140 = tpu.memref_slice %arg2[%mul3A_2, %dma_start3A_139] : memref<256x128xi32, #tpu.memory_space<hbm>> -> memref<4x128xi32, #tpu.memory_space<hbm>>
      tpu.enqueue_dma source(%dma_start3A_140 : memref<4x128xi32, #tpu.memory_space<hbm>>) target(%dma_start3A_138 : memref<4x128xi32, #tpu.memory_space<vmem>>) target_semaphore(%run_scoped3A : memref<!tpu.dma_semaphore, #tpu.memory_space<semaphore_mem>>)
      %dma_wait3A_141 = arith.constant 0 : i32
      %dma_wait3A_142 = arith.constant 0 : i32
      %dma_wait3A_143 = tpu.memref_slice %arg8[%dma_wait3A_141, %dma_wait3A_142] : memref<8x128xi32, #tpu.memory_space<vmem>> -> memref<4x128xi32, #tpu.memory_space<vmem>>
      %dma_wait3A_144 = arith.constant 0 : i32
      %dma_wait3A_145 = tpu.memref_slice %arg2[%mul3A_2, %dma_wait3A_144] : memref<256x128xi32, #tpu.memory_space<hbm>> -> memref<4x128xi32, #tpu.memory_space<hbm>>
      %dma_wait3A_146 = arith.constant 0 : i32
      %dma_wait3A_147 = arith.constant 0 : i32
      %dma_wait3A_148 = tpu.memref_slice %arg8[%dma_wait3A_146, %dma_wait3A_147] : memref<8x128xi32, #tpu.memory_space<vmem>> -> memref<4x128xi32, #tpu.memory_space<vmem>>
      %dma_wait3A_149 = arith.constant 0 : i32
      %dma_wait3A_150 = tpu.memref_slice %arg2[%mul3A_2, %dma_wait3A_149] : memref<256x128xi32, #tpu.memory_space<hbm>> -> memref<4x128xi32, #tpu.memory_space<hbm>>
      tpu.wait_dma2 semaphore(%run_scoped3A : memref<!tpu.dma_semaphore, #tpu.memory_space<semaphore_mem>>) src(%dma_wait3A_150 : memref<4x128xi32, #tpu.memory_space<hbm>>) dst(%dma_wait3A_148 : memref<4x128xi32, #tpu.memory_space<vmem>>)
      tpu.yield
    }) : () -> ()
    %mul3A_3 = arith.constant 4 : i32
    %mul3A_4 = arith.muli %add3A, %mul3A_3 : i32
    %add3A_5 = arith.constant 128 : i32
    %add3A_6 = arith.addi %add3A_5, %mul3A_4 : i32
    "tpu.region"() ({
      %run_scoped3A = tpu.sem_alloc : memref<!tpu.dma_semaphore, #tpu.memory_space<semaphore_mem>>
      %dma_start3A_131 = arith.constant 4 : i32
      %dma_start3A_132 = arith.constant 0 : i32
      %dma_start3A_133 = tpu.memref_slice %arg8[%dma_start3A_131, %dma_start3A_132] : memref<8x128xi32, #tpu.memory_space<vmem>> -> memref<4x128xi32, #tpu.memory_space<vmem>>
      %dma_start3A_134 = arith.constant 0 : i32
      %dma_start3A_135 = tpu.memref_slice %arg2[%add3A_6, %dma_start3A_134] : memref<256x128xi32, #tpu.memory_space<hbm>> -> memref<4x128xi32, #tpu.memory_space<hbm>>
      %dma_start3A_136 = arith.constant 4 : i32
      %dma_start3A_137 = arith.constant 0 : i32
      %dma_start3A_138 = tpu.memref_slice %arg8[%dma_start3A_136, %dma_start3A_137] : memref<8x128xi32, #tpu.memory_space<vmem>> -> memref<4x128xi32, #tpu.memory_space<vmem>>
      %dma_start3A_139 = arith.constant 0 : i32
      %dma_start3A_140 = tpu.memref_slice %arg2[%add3A_6, %dma_start3A_139] : memref<256x128xi32, #tpu.memory_space<hbm>> -> memref<4x128xi32, #tpu.memory_space<hbm>>
      tpu.enqueue_dma source(%dma_start3A_140 : memref<4x128xi32, #tpu.memory_space<hbm>>) target(%dma_start3A_138 : memref<4x128xi32, #tpu.memory_space<vmem>>) target_semaphore(%run_scoped3A : memref<!tpu.dma_semaphore, #tpu.memory_space<semaphore_mem>>)
      %dma_wait3A_141 = arith.constant 4 : i32
      %dma_wait3A_142 = arith.constant 0 : i32
      %dma_wait3A_143 = tpu.memref_slice %arg8[%dma_wait3A_141, %dma_wait3A_142] : memref<8x128xi32, #tpu.memory_space<vmem>> -> memref<4x128xi32, #tpu.memory_space<vmem>>
      %dma_wait3A_144 = arith.constant 0 : i32
      %dma_wait3A_145 = tpu.memref_slice %arg2[%add3A_6, %dma_wait3A_144] : memref<256x128xi32, #tpu.memory_space<hbm>> -> memref<4x128xi32, #tpu.memory_space<hbm>>
      %dma_wait3A_146 = arith.constant 4 : i32
      %dma_wait3A_147 = arith.constant 0 : i32
      %dma_wait3A_148 = tpu.memref_slice %arg8[%dma_wait3A_146, %dma_wait3A_147] : memref<8x128xi32, #tpu.memory_space<vmem>> -> memref<4x128xi32, #tpu.memory_space<vmem>>
      %dma_wait3A_149 = arith.constant 0 : i32
      %dma_wait3A_150 = tpu.memref_slice %arg2[%add3A_6, %dma_wait3A_149] : memref<256x128xi32, #tpu.memory_space<hbm>> -> memref<4x128xi32, #tpu.memory_space<hbm>>
      tpu.wait_dma2 semaphore(%run_scoped3A : memref<!tpu.dma_semaphore, #tpu.memory_space<semaphore_mem>>) src(%dma_wait3A_150 : memref<4x128xi32, #tpu.memory_space<hbm>>) dst(%dma_wait3A_148 : memref<4x128xi32, #tpu.memory_space<vmem>>)
      tpu.yield
    }) : () -> ()
    %mul3A_7 = arith.constant 32 : i32
    %mul3A_8 = arith.muli %add3A, %mul3A_7 : i32
    "tpu.region"() ({
      %run_scoped3A = tpu.sem_alloc : memref<!tpu.dma_semaphore, #tpu.memory_space<semaphore_mem>>
      %dma_start3A_131 = arith.constant 0 : i32
      %dma_start3A_132 = arith.constant 0 : i32
      %dma_start3A_133 = tpu.memref_slice %arg9[%dma_start3A_131, %dma_start3A_132] : memref<64x16xf32, #tpu.memory_space<vmem>> -> memref<32x16xf32, #tpu.memory_space<vmem>>
      %dma_start3A_134 = arith.constant 0 : i32
      %dma_start3A_135 = tpu.memref_slice %arg3[%mul3A_8, %dma_start3A_134] : memref<2048x16xf32, #tpu.memory_space<hbm>> -> memref<32x16xf32, #tpu.memory_space<hbm>>
      %dma_start3A_136 = arith.constant 0 : i32
      %dma_start3A_137 = arith.constant 0 : i32
      %dma_start3A_138 = tpu.memref_slice %arg9[%dma_start3A_136, %dma_start3A_137] : memref<64x16xf32, #tpu.memory_space<vmem>> -> memref<32x16xf32, #tpu.memory_space<vmem>>
      %dma_start3A_139 = arith.constant 0 : i32
      %dma_start3A_140 = tpu.memref_slice %arg3[%mul3A_8, %dma_start3A_139] : memref<2048x16xf32, #tpu.memory_space<hbm>> -> memref<32x16xf32, #tpu.memory_space<hbm>>
      tpu.enqueue_dma source(%dma_start3A_140 : memref<32x16xf32, #tpu.memory_space<hbm>>) target(%dma_start3A_138 : memref<32x16xf32, #tpu.memory_space<vmem>>) target_semaphore(%run_scoped3A : memref<!tpu.dma_semaphore, #tpu.memory_space<semaphore_mem>>)
      %dma_wait3A_141 = arith.constant 0 : i32
      %dma_wait3A_142 = arith.constant 0 : i32
      %dma_wait3A_143 = tpu.memref_slice %arg9[%dma_wait3A_141, %dma_wait3A_142] : memref<64x16xf32, #tpu.memory_space<vmem>> -> memref<32x16xf32, #tpu.memory_space<vmem>>
      %dma_wait3A_144 = arith.constant 0 : i32
      %dma_wait3A_145 = tpu.memref_slice %arg3[%mul3A_8, %dma_wait3A_144] : memref<2048x16xf32, #tpu.memory_space<hbm>> -> memref<32x16xf32, #tpu.memory_space<hbm>>
      %dma_wait3A_146 = arith.constant 0 : i32
      %dma_wait3A_147 = arith.constant 0 : i32
      %dma_wait3A_148 = tpu.memref_slice %arg9[%dma_wait3A_146, %dma_wait3A_147] : memref<64x16xf32, #tpu.memory_space<vmem>> -> memref<32x16xf32, #tpu.memory_space<vmem>>
      %dma_wait3A_149 = arith.constant 0 : i32
      %dma_wait3A_150 = tpu.memref_slice %arg3[%mul3A_8, %dma_wait3A_149] : memref<2048x16xf32, #tpu.memory_space<hbm>> -> memref<32x16xf32, #tpu.memory_space<hbm>>
      tpu.wait_dma2 semaphore(%run_scoped3A : memref<!tpu.dma_semaphore, #tpu.memory_space<semaphore_mem>>) src(%dma_wait3A_150 : memref<32x16xf32, #tpu.memory_space<hbm>>) dst(%dma_wait3A_148 : memref<32x16xf32, #tpu.memory_space<vmem>>)
      tpu.yield
    }) : () -> ()
    %mul3A_9 = arith.constant 32 : i32
    %mul3A_10 = arith.muli %add3A, %mul3A_9 : i32
    %add3A_11 = arith.constant 1024 : i32
    %add3A_12 = arith.addi %add3A_11, %mul3A_10 : i32
    "tpu.region"() ({
      %run_scoped3A = tpu.sem_alloc : memref<!tpu.dma_semaphore, #tpu.memory_space<semaphore_mem>>
      %dma_start3A_131 = arith.constant 32 : i32
      %dma_start3A_132 = arith.constant 0 : i32
      %dma_start3A_133 = tpu.memref_slice %arg9[%dma_start3A_131, %dma_start3A_132] : memref<64x16xf32, #tpu.memory_space<vmem>> -> memref<32x16xf32, #tpu.memory_space<vmem>>
      %dma_start3A_134 = arith.constant 0 : i32
      %dma_start3A_135 = tpu.memref_slice %arg3[%add3A_12, %dma_start3A_134] : memref<2048x16xf32, #tpu.memory_space<hbm>> -> memref<32x16xf32, #tpu.memory_space<hbm>>
      %dma_start3A_136 = arith.constant 32 : i32
      %dma_start3A_137 = arith.constant 0 : i32
      %dma_start3A_138 = tpu.memref_slice %arg9[%dma_start3A_136, %dma_start3A_137] : memref<64x16xf32, #tpu.memory_space<vmem>> -> memref<32x16xf32, #tpu.memory_space<vmem>>
      %dma_start3A_139 = arith.constant 0 : i32
      %dma_start3A_140 = tpu.memref_slice %arg3[%add3A_12, %dma_start3A_139] : memref<2048x16xf32, #tpu.memory_space<hbm>> -> memref<32x16xf32, #tpu.memory_space<hbm>>
      tpu.enqueue_dma source(%dma_start3A_140 : memref<32x16xf32, #tpu.memory_space<hbm>>) target(%dma_start3A_138 : memref<32x16xf32, #tpu.memory_space<vmem>>) target_semaphore(%run_scoped3A : memref<!tpu.dma_semaphore, #tpu.memory_space<semaphore_mem>>)
      %dma_wait3A_141 = arith.constant 32 : i32
      %dma_wait3A_142 = arith.constant 0 : i32
      %dma_wait3A_143 = tpu.memref_slice %arg9[%dma_wait3A_141, %dma_wait3A_142] : memref<64x16xf32, #tpu.memory_space<vmem>> -> memref<32x16xf32, #tpu.memory_space<vmem>>
      %dma_wait3A_144 = arith.constant 0 : i32
      %dma_wait3A_145 = tpu.memref_slice %arg3[%add3A_12, %dma_wait3A_144] : memref<2048x16xf32, #tpu.memory_space<hbm>> -> memref<32x16xf32, #tpu.memory_space<hbm>>
      %dma_wait3A_146 = arith.constant 32 : i32
      %dma_wait3A_147 = arith.constant 0 : i32
      %dma_wait3A_148 = tpu.memref_slice %arg9[%dma_wait3A_146, %dma_wait3A_147] : memref<64x16xf32, #tpu.memory_space<vmem>> -> memref<32x16xf32, #tpu.memory_space<vmem>>
      %dma_wait3A_149 = arith.constant 0 : i32
      %dma_wait3A_150 = tpu.memref_slice %arg3[%add3A_12, %dma_wait3A_149] : memref<2048x16xf32, #tpu.memory_space<hbm>> -> memref<32x16xf32, #tpu.memory_space<hbm>>
      tpu.wait_dma2 semaphore(%run_scoped3A : memref<!tpu.dma_semaphore, #tpu.memory_space<semaphore_mem>>) src(%dma_wait3A_150 : memref<32x16xf32, #tpu.memory_space<hbm>>) dst(%dma_wait3A_148 : memref<32x16xf32, #tpu.memory_space<vmem>>)
      tpu.yield
    }) : () -> ()
    %broadcast_in_dim3A = arith.constant 0.000000e+00 : f32
    %broadcast_in_dim3A_13 = vector.broadcast %broadcast_in_dim3A : f32 to vector<16xf32>
    %swap3A = arith.constant 48 : index
    %swap3A_14 = tpu.vector_load %arg14[%swap3A] {strides = array<i32>} : memref<64xf32, #tpu.memory_space<vmem>>, vector<16xf32>,
    %swap3A_15 = vector.shape_cast %swap3A_14 : vector<16xf32> to vector<16xf32>
    %swap3A_16 = vector.shape_cast %broadcast_in_dim3A_13 : vector<16xf32> to vector<16xf32>
    tpu.vector_store %arg14[%swap3A], %swap3A_16 {strides = array<i32>} : memref<64xf32, #tpu.memory_space<vmem>>, vector<16xf32>,
    %iota3A = tpu.iota {dimensions = array<i32: 0>} : vector<16xi32>
    %broadcast_in_dim3A_17 = arith.constant 0.000000e+00 : f32
    %broadcast_in_dim3A_18 = vector.broadcast %broadcast_in_dim3A_17 : f32 to vector<16xf32>
    %dma_start3A = arith.constant 0 : i32
    %dma_start3A_19 = arith.constant 0 : i32
    %dma_start3A_20 = tpu.memref_slice %arg8[%dma_start3A, %dma_start3A_19] : memref<8x128xi32, #tpu.memory_space<vmem>> -> memref<1x128xi32, #tpu.memory_space<vmem>>
    %dma_start3A_21 = tpu.memref_squeeze %dma_start3A_20 : memref<1x128xi32, #tpu.memory_space<vmem>> -> memref<128xi32, #tpu.memory_space<vmem>>
    %dma_start3A_22 = arith.constant 0 : i32
    %dma_start3A_23 = arith.constant 0 : i32
    %dma_start3A_24 = tpu.memref_slice %arg4[%dma_start3A_22, %dma_start3A_23] : memref<500000x128xf32, #tpu.memory_space<hbm>> -> memref<500000x128xf32, #tpu.memory_space<hbm>>
    tpu.enqueue_indirect_dma source(%dma_start3A_24 : memref<500000x128xf32, #tpu.memory_space<hbm>>) target(%arg10 : memref<128x128xf32, #tpu.memory_space<vmem>>) offsets(%dma_start3A_21 : memref<128xi32, #tpu.memory_space<vmem>>) semaphore(%arg18 : memref<!tpu.dma_semaphore, #tpu.memory_space<semaphore_mem>>)
    %dma_start3A_25 = arith.constant 4 : i32
    %dma_start3A_26 = arith.constant 0 : i32
    %dma_start3A_27 = tpu.memref_slice %arg8[%dma_start3A_25, %dma_start3A_26] : memref<8x128xi32, #tpu.memory_space<vmem>> -> memref<1x128xi32, #tpu.memory_space<vmem>>
    %dma_start3A_28 = tpu.memref_squeeze %dma_start3A_27 : memref<1x128xi32, #tpu.memory_space<vmem>> -> memref<128xi32, #tpu.memory_space<vmem>>
    %dma_start3A_29 = arith.constant 0 : i32
    %dma_start3A_30 = arith.constant 0 : i32
    %dma_start3A_31 = tpu.memref_slice %arg4[%dma_start3A_29, %dma_start3A_30] : memref<500000x128xf32, #tpu.memory_space<hbm>> -> memref<500000x128xf32, #tpu.memory_space<hbm>>
    tpu.enqueue_indirect_dma source(%dma_start3A_31 : memref<500000x128xf32, #tpu.memory_space<hbm>>) target(%arg11 : memref<128x128xf32, #tpu.memory_space<vmem>>) offsets(%dma_start3A_28 : memref<128xi32, #tpu.memory_space<vmem>>) semaphore(%arg18 : memref<!tpu.dma_semaphore, #tpu.memory_space<semaphore_mem>>)
    %dma_start3A_32 = arith.constant 1 : i32
    %dma_start3A_33 = arith.constant 0 : i32
    %dma_start3A_34 = tpu.memref_slice %arg8[%dma_start3A_32, %dma_start3A_33] : memref<8x128xi32, #tpu.memory_space<vmem>> -> memref<1x128xi32, #tpu.memory_space<vmem>>
    %dma_start3A_35 = tpu.memref_squeeze %dma_start3A_34 : memref<1x128xi32, #tpu.memory_space<vmem>> -> memref<128xi32, #tpu.memory_space<vmem>>
    %dma_start3A_36 = arith.constant 0 : i32
    %dma_start3A_37 = arith.constant 0 : i32
    %dma_start3A_38 = tpu.memref_slice %arg4[%dma_start3A_36, %dma_start3A_37] : memref<500000x128xf32, #tpu.memory_space<hbm>> -> memref<500000x128xf32, #tpu.memory_space<hbm>>
    tpu.enqueue_indirect_dma source(%dma_start3A_38 : memref<500000x128xf32, #tpu.memory_space<hbm>>) target(%arg12 : memref<128x128xf32, #tpu.memory_space<vmem>>) offsets(%dma_start3A_35 : memref<128xi32, #tpu.memory_space<vmem>>) semaphore(%arg18 : memref<!tpu.dma_semaphore, #tpu.memory_space<semaphore_mem>>)
    %dma_start3A_39 = arith.constant 5 : i32
    %dma_start3A_40 = arith.constant 0 : i32
    %dma_start3A_41 = tpu.memref_slice %arg8[%dma_start3A_39, %dma_start3A_40] : memref<8x128xi32, #tpu.memory_space<vmem>> -> memref<1x128xi32, #tpu.memory_space<vmem>>
    %dma_start3A_42 = tpu.memref_squeeze %dma_start3A_41 : memref<1x128xi32, #tpu.memory_space<vmem>> -> memref<128xi32, #tpu.memory_space<vmem>>
    %dma_start3A_43 = arith.constant 0 : i32
    %dma_start3A_44 = arith.constant 0 : i32
    %dma_start3A_45 = tpu.memref_slice %arg4[%dma_start3A_43, %dma_start3A_44] : memref<500000x128xf32, #tpu.memory_space<hbm>> -> memref<500000x128xf32, #tpu.memory_space<hbm>>
    tpu.enqueue_indirect_dma source(%dma_start3A_45 : memref<500000x128xf32, #tpu.memory_space<hbm>>) target(%arg13 : memref<128x128xf32, #tpu.memory_space<vmem>>) offsets(%dma_start3A_42 : memref<128xi32, #tpu.memory_space<vmem>>) semaphore(%arg18 : memref<!tpu.dma_semaphore, #tpu.memory_space<semaphore_mem>>)
    %dma_wait3A = arith.constant 0 : i32
    %dma_wait3A_46 = arith.constant 0 : i32
    %dma_wait3A_47 = tpu.memref_slice %arg8[%dma_wait3A, %dma_wait3A_46] : memref<8x128xi32, #tpu.memory_space<vmem>> -> memref<1x128xi32, #tpu.memory_space<vmem>>
    %dma_wait3A_48 = tpu.memref_squeeze %dma_wait3A_47 : memref<1x128xi32, #tpu.memory_space<vmem>> -> memref<128xi32, #tpu.memory_space<vmem>>
    %dma_wait3A_49 = arith.constant 0 : i32
    %dma_wait3A_50 = arith.constant 0 : i32
    %dma_wait3A_51 = tpu.memref_slice %arg4[%dma_wait3A_49, %dma_wait3A_50] : memref<500000x128xf32, #tpu.memory_space<hbm>> -> memref<500000x128xf32, #tpu.memory_space<hbm>>
    tpu.wait_indirect_dma semaphore(%arg18 : memref<!tpu.dma_semaphore, #tpu.memory_space<semaphore_mem>>) src(%dma_wait3A_51 : memref<500000x128xf32, #tpu.memory_space<hbm>>) dst(%arg10 : memref<128x128xf32, #tpu.memory_space<vmem>>)
    %dma_wait3A_52 = arith.constant 4 : i32
    %dma_wait3A_53 = arith.constant 0 : i32
    %dma_wait3A_54 = tpu.memref_slice %arg8[%dma_wait3A_52, %dma_wait3A_53] : memref<8x128xi32, #tpu.memory_space<vmem>> -> memref<1x128xi32, #tpu.memory_space<vmem>>
    %dma_wait3A_55 = tpu.memref_squeeze %dma_wait3A_54 : memref<1x128xi32, #tpu.memory_space<vmem>> -> memref<128xi32, #tpu.memory_space<vmem>>
    %dma_wait3A_56 = arith.constant 0 : i32
    %dma_wait3A_57 = arith.constant 0 : i32
    %dma_wait3A_58 = tpu.memref_slice %arg4[%dma_wait3A_56, %dma_wait3A_57] : memref<500000x128xf32, #tpu.memory_space<hbm>> -> memref<500000x128xf32, #tpu.memory_space<hbm>>
    tpu.wait_indirect_dma semaphore(%arg18 : memref<!tpu.dma_semaphore, #tpu.memory_space<semaphore_mem>>) src(%dma_wait3A_58 : memref<500000x128xf32, #tpu.memory_space<hbm>>) dst(%arg11 : memref<128x128xf32, #tpu.memory_space<vmem>>)
    %dma_start3A_59 = arith.constant 2 : i32
    %dma_start3A_60 = arith.constant 0 : i32
    %dma_start3A_61 = tpu.memref_slice %arg8[%dma_start3A_59, %dma_start3A_60] : memref<8x128xi32, #tpu.memory_space<vmem>> -> memref<1x128xi32, #tpu.memory_space<vmem>>
    %dma_start3A_62 = tpu.memref_squeeze %dma_start3A_61 : memref<1x128xi32, #tpu.memory_space<vmem>> -> memref<128xi32, #tpu.memory_space<vmem>>
    %dma_start3A_63 = arith.constant 0 : i32
    %dma_start3A_64 = arith.constant 0 : i32
    %dma_start3A_65 = tpu.memref_slice %arg4[%dma_start3A_63, %dma_start3A_64] : memref<500000x128xf32, #tpu.memory_space<hbm>> -> memref<500000x128xf32, #tpu.memory_space<hbm>>
    tpu.enqueue_indirect_dma source(%dma_start3A_65 : memref<500000x128xf32, #tpu.memory_space<hbm>>) target(%arg10 : memref<128x128xf32, #tpu.memory_space<vmem>>) offsets(%dma_start3A_62 : memref<128xi32, #tpu.memory_space<vmem>>) semaphore(%arg18 : memref<!tpu.dma_semaphore, #tpu.memory_space<semaphore_mem>>)
    %dma_start3A_66 = arith.constant 6 : i32
    %dma_start3A_67 = arith.constant 0 : i32
    %dma_start3A_68 = tpu.memref_slice %arg8[%dma_start3A_66, %dma_start3A_67] : memref<8x128xi32, #tpu.memory_space<vmem>> -> memref<1x128xi32, #tpu.memory_space<vmem>>
    %dma_start3A_69 = tpu.memref_squeeze %dma_start3A_68 : memref<1x128xi32, #tpu.memory_space<vmem>> -> memref<128xi32, #tpu.memory_space<vmem>>
    %dma_start3A_70 = arith.constant 0 : i32
    %dma_start3A_71 = arith.constant 0 : i32
    %dma_start3A_72 = tpu.memref_slice %arg4[%dma_start3A_70, %dma_start3A_71] : memref<500000x128xf32, #tpu.memory_space<hbm>> -> memref<500000x128xf32, #tpu.memory_space<hbm>>
    tpu.enqueue_indirect_dma source(%dma_start3A_72 : memref<500000x128xf32, #tpu.memory_space<hbm>>) target(%arg11 : memref<128x128xf32, #tpu.memory_space<vmem>>) offsets(%dma_start3A_69 : memref<128xi32, #tpu.memory_space<vmem>>) semaphore(%arg18 : memref<!tpu.dma_semaphore, #tpu.memory_space<semaphore_mem>>)
    %dma_wait3A_73 = arith.constant 1 : i32
    %dma_wait3A_74 = arith.constant 0 : i32
    %dma_wait3A_75 = tpu.memref_slice %arg8[%dma_wait3A_73, %dma_wait3A_74] : memref<8x128xi32, #tpu.memory_space<vmem>> -> memref<1x128xi32, #tpu.memory_space<vmem>>
    %dma_wait3A_76 = tpu.memref_squeeze %dma_wait3A_75 : memref<1x128xi32, #tpu.memory_space<vmem>> -> memref<128xi32, #tpu.memory_space<vmem>>
    %dma_wait3A_77 = arith.constant 0 : i32
    %dma_wait3A_78 = arith.constant 0 : i32
    %dma_wait3A_79 = tpu.memref_slice %arg4[%dma_wait3A_77, %dma_wait3A_78] : memref<500000x128xf32, #tpu.memory_space<hbm>> -> memref<500000x128xf32, #tpu.memory_space<hbm>>
    tpu.wait_indirect_dma semaphore(%arg18 : memref<!tpu.dma_semaphore, #tpu.memory_space<semaphore_mem>>) src(%dma_wait3A_79 : memref<500000x128xf32, #tpu.memory_space<hbm>>) dst(%arg12 : memref<128x128xf32, #tpu.memory_space<vmem>>)
    %dma_wait3A_80 = arith.constant 5 : i32
    %dma_wait3A_81 = arith.constant 0 : i32
    %dma_wait3A_82 = tpu.memref_slice %arg8[%dma_wait3A_80, %dma_wait3A_81] : memref<8x128xi32, #tpu.memory_space<vmem>> -> memref<1x128xi32, #tpu.memory_space<vmem>>
    %dma_wait3A_83 = tpu.memref_squeeze %dma_wait3A_82 : memref<1x128xi32, #tpu.memory_space<vmem>> -> memref<128xi32, #tpu.memory_space<vmem>>
    %dma_wait3A_84 = arith.constant 0 : i32
    %dma_wait3A_85 = arith.constant 0 : i32
    %dma_wait3A_86 = tpu.memref_slice %arg4[%dma_wait3A_84, %dma_wait3A_85] : memref<500000x128xf32, #tpu.memory_space<hbm>> -> memref<500000x128xf32, #tpu.memory_space<hbm>>
    tpu.wait_indirect_dma semaphore(%arg18 : memref<!tpu.dma_semaphore, #tpu.memory_space<semaphore_mem>>) src(%dma_wait3A_86 : memref<500000x128xf32, #tpu.memory_space<hbm>>) dst(%arg13 : memref<128x128xf32, #tpu.memory_space<vmem>>)
    %dma_start3A_87 = arith.constant 3 : i32
    %dma_start3A_88 = arith.constant 0 : i32
    %dma_start3A_89 = tpu.memref_slice %arg8[%dma_start3A_87, %dma_start3A_88] : memref<8x128xi32, #tpu.memory_space<vmem>> -> memref<1x128xi32, #tpu.memory_space<vmem>>
    %dma_start3A_90 = tpu.memref_squeeze %dma_start3A_89 : memref<1x128xi32, #tpu.memory_space<vmem>> -> memref<128xi32, #tpu.memory_space<vmem>>
    %dma_start3A_91 = arith.constant 0 : i32
    %dma_start3A_92 = arith.constant 0 : i32
    %dma_start3A_93 = tpu.memref_slice %arg4[%dma_start3A_91, %dma_start3A_92] : memref<500000x128xf32, #tpu.memory_space<hbm>> -> memref<500000x128xf32, #tpu.memory_space<hbm>>
    tpu.enqueue_indirect_dma source(%dma_start3A_93 : memref<500000x128xf32, #tpu.memory_space<hbm>>) target(%arg12 : memref<128x128xf32, #tpu.memory_space<vmem>>) offsets(%dma_start3A_90 : memref<128xi32, #tpu.memory_space<vmem>>) semaphore(%arg18 : memref<!tpu.dma_semaphore, #tpu.memory_space<semaphore_mem>>)
    %dma_start3A_94 = arith.constant 7 : i32
    %dma_start3A_95 = arith.constant 0 : i32
    %dma_start3A_96 = tpu.memref_slice %arg8[%dma_start3A_94, %dma_start3A_95] : memref<8x128xi32, #tpu.memory_space<vmem>> -> memref<1x128xi32, #tpu.memory_space<vmem>>
    %dma_start3A_97 = tpu.memref_squeeze %dma_start3A_96 : memref<1x128xi32, #tpu.memory_space<vmem>> -> memref<128xi32, #tpu.memory_space<vmem>>
    %dma_start3A_98 = arith.constant 0 : i32
    %dma_start3A_99 = arith.constant 0 : i32
    %dma_start3A_100 = tpu.memref_slice %arg4[%dma_start3A_98, %dma_start3A_99] : memref<500000x128xf32, #tpu.memory_space<hbm>> -> memref<500000x128xf32, #tpu.memory_space<hbm>>
    tpu.enqueue_indirect_dma source(%dma_start3A_100 : memref<500000x128xf32, #tpu.memory_space<hbm>>) target(%arg13 : memref<128x128xf32, #tpu.memory_space<vmem>>) offsets(%dma_start3A_97 : memref<128xi32, #tpu.memory_space<vmem>>) semaphore(%arg18 : memref<!tpu.dma_semaphore, #tpu.memory_space<semaphore_mem>>)
    %dma_wait3A_101 = arith.constant 2 : i32
    %dma_wait3A_102 = arith.constant 0 : i32
    %dma_wait3A_103 = tpu.memref_slice %arg8[%dma_wait3A_101, %dma_wait3A_102] : memref<8x128xi32, #tpu.memory_space<vmem>> -> memref<1x128xi32, #tpu.memory_space<vmem>>
    %dma_wait3A_104 = tpu.memref_squeeze %dma_wait3A_103 : memref<1x128xi32, #tpu.memory_space<vmem>> -> memref<128xi32, #tpu.memory_space<vmem>>
    %dma_wait3A_105 = arith.constant 0 : i32
    %dma_wait3A_106 = arith.constant 0 : i32
    %dma_wait3A_107 = tpu.memref_slice %arg4[%dma_wait3A_105, %dma_wait3A_106] : memref<500000x128xf32, #tpu.memory_space<hbm>> -> memref<500000x128xf32, #tpu.memory_space<hbm>>
    tpu.wait_indirect_dma semaphore(%arg18 : memref<!tpu.dma_semaphore, #tpu.memory_space<semaphore_mem>>) src(%dma_wait3A_107 : memref<500000x128xf32, #tpu.memory_space<hbm>>) dst(%arg10 : memref<128x128xf32, #tpu.memory_space<vmem>>)
    %dma_wait3A_108 = arith.constant 6 : i32
    %dma_wait3A_109 = arith.constant 0 : i32
    %dma_wait3A_110 = tpu.memref_slice %arg8[%dma_wait3A_108, %dma_wait3A_109] : memref<8x128xi32, #tpu.memory_space<vmem>> -> memref<1x128xi32, #tpu.memory_space<vmem>>
    %dma_wait3A_111 = tpu.memref_squeeze %dma_wait3A_110 : memref<1x128xi32, #tpu.memory_space<vmem>> -> memref<128xi32, #tpu.memory_space<vmem>>
    %dma_wait3A_112 = arith.constant 0 : i32
    %dma_wait3A_113 = arith.constant 0 : i32
    %dma_wait3A_114 = tpu.memref_slice %arg4[%dma_wait3A_112, %dma_wait3A_113] : memref<500000x128xf32, #tpu.memory_space<hbm>> -> memref<500000x128xf32, #tpu.memory_space<hbm>>
    tpu.wait_indirect_dma semaphore(%arg18 : memref<!tpu.dma_semaphore, #tpu.memory_space<semaphore_mem>>) src(%dma_wait3A_114 : memref<500000x128xf32, #tpu.memory_space<hbm>>) dst(%arg11 : memref<128x128xf32, #tpu.memory_space<vmem>>)
    %dma_wait3A_115 = arith.constant 3 : i32
    %dma_wait3A_116 = arith.constant 0 : i32
    %dma_wait3A_117 = tpu.memref_slice %arg8[%dma_wait3A_115, %dma_wait3A_116] : memref<8x128xi32, #tpu.memory_space<vmem>> -> memref<1x128xi32, #tpu.memory_space<vmem>>
    %dma_wait3A_118 = tpu.memref_squeeze %dma_wait3A_117 : memref<1x128xi32, #tpu.memory_space<vmem>> -> memref<128xi32, #tpu.memory_space<vmem>>
    %dma_wait3A_119 = arith.constant 0 : i32
    %dma_wait3A_120 = arith.constant 0 : i32
    %dma_wait3A_121 = tpu.memref_slice %arg4[%dma_wait3A_119, %dma_wait3A_120] : memref<500000x128xf32, #tpu.memory_space<hbm>> -> memref<500000x128xf32, #tpu.memory_space<hbm>>
    tpu.wait_indirect_dma semaphore(%arg18 : memref<!tpu.dma_semaphore, #tpu.memory_space<semaphore_mem>>) src(%dma_wait3A_121 : memref<500000x128xf32, #tpu.memory_space<hbm>>) dst(%arg12 : memref<128x128xf32, #tpu.memory_space<vmem>>)
    %dma_wait3A_122 = arith.constant 7 : i32
    %dma_wait3A_123 = arith.constant 0 : i32
    %dma_wait3A_124 = tpu.memref_slice %arg8[%dma_wait3A_122, %dma_wait3A_123] : memref<8x128xi32, #tpu.memory_space<vmem>> -> memref<1x128xi32, #tpu.memory_space<vmem>>
    %dma_wait3A_125 = tpu.memref_squeeze %dma_wait3A_124 : memref<1x128xi32, #tpu.memory_space<vmem>> -> memref<128xi32, #tpu.memory_space<vmem>>
    %dma_wait3A_126 = arith.constant 0 : i32
    %dma_wait3A_127 = arith.constant 0 : i32
    %dma_wait3A_128 = tpu.memref_slice %arg4[%dma_wait3A_126, %dma_wait3A_127] : memref<500000x128xf32, #tpu.memory_space<hbm>> -> memref<500000x128xf32, #tpu.memory_space<hbm>>
    tpu.wait_indirect_dma semaphore(%arg18 : memref<!tpu.dma_semaphore, #tpu.memory_space<semaphore_mem>>) src(%dma_wait3A_128 : memref<500000x128xf32, #tpu.memory_space<hbm>>) dst(%arg13 : memref<128x128xf32, #tpu.memory_space<vmem>>)
    %mul3A_129 = arith.constant 32 : i32
    %mul3A_130 = arith.muli %add3A, %mul3A_129 : i32
    "tpu.region"() ({
      %run_scoped3A = tpu.sem_alloc : memref<!tpu.dma_semaphore, #tpu.memory_space<semaphore_mem>>
      %dma_start3A_131 = arith.constant 0 : i32
      %dma_start3A_132 = tpu.memref_slice %arg5[%mul3A_130, %dma_start3A_131] : memref<1024x16xf32, #tpu.memory_space<hbm>> -> memref<32x16xf32, #tpu.memory_space<hbm>>
      %dma_start3A_133 = arith.constant 0 : i32
      %dma_start3A_134 = tpu.memref_slice %arg5[%mul3A_130, %dma_start3A_133] : memref<1024x16xf32, #tpu.memory_space<hbm>> -> memref<32x16xf32, #tpu.memory_space<hbm>>
      tpu.enqueue_dma source(%arg15 : memref<32x16xf32, #tpu.memory_space<vmem>>) target(%dma_start3A_134 : memref<32x16xf32, #tpu.memory_space<hbm>>) target_semaphore(%run_scoped3A : memref<!tpu.dma_semaphore, #tpu.memory_space<semaphore_mem>>)
      %dma_wait3A_135 = arith.constant 0 : i32
      %dma_wait3A_136 = tpu.memref_slice %arg5[%mul3A_130, %dma_wait3A_135] : memref<1024x16xf32, #tpu.memory_space<hbm>> -> memref<32x16xf32, #tpu.memory_space<hbm>>
      %dma_wait3A_137 = arith.constant 0 : i32
      %dma_wait3A_138 = tpu.memref_slice %arg5[%mul3A_130, %dma_wait3A_137] : memref<1024x16xf32, #tpu.memory_space<hbm>> -> memref<32x16xf32, #tpu.memory_space<hbm>>
      tpu.wait_dma2 semaphore(%run_scoped3A : memref<!tpu.dma_semaphore, #tpu.memory_space<semaphore_mem>>) src(%arg15 : memref<32x16xf32, #tpu.memory_space<vmem>>) dst(%dma_wait3A_138 : memref<32x16xf32, #tpu.memory_space<hbm>>)
      tpu.yield
    }) : () -> ()
    "tpu.region"() ({
      %run_scoped3A = tpu.sem_alloc : memref<!tpu.dma_semaphore, #tpu.memory_space<semaphore_mem>>
      %dma_start3A_131 = arith.constant 0 : i32
      %dma_start3A_132 = tpu.memref_slice %arg6[%mul3A_130, %dma_start3A_131] : memref<1024x16xf32, #tpu.memory_space<hbm>> -> memref<32x16xf32, #tpu.memory_space<hbm>>
      %dma_start3A_133 = arith.constant 0 : i32
      %dma_start3A_134 = tpu.memref_slice %arg6[%mul3A_130, %dma_start3A_133] : memref<1024x16xf32, #tpu.memory_space<hbm>> -> memref<32x16xf32, #tpu.memory_space<hbm>>
      tpu.enqueue_dma source(%arg16 : memref<32x16xf32, #tpu.memory_space<vmem>>) target(%dma_start3A_134 : memref<32x16xf32, #tpu.memory_space<hbm>>) target_semaphore(%run_scoped3A : memref<!tpu.dma_semaphore, #tpu.memory_space<semaphore_mem>>)
      %dma_wait3A_135 = arith.constant 0 : i32
      %dma_wait3A_136 = tpu.memref_slice %arg6[%mul3A_130, %dma_wait3A_135] : memref<1024x16xf32, #tpu.memory_space<hbm>> -> memref<32x16xf32, #tpu.memory_space<hbm>>
      %dma_wait3A_137 = arith.constant 0 : i32
      %dma_wait3A_138 = tpu.memref_slice %arg6[%mul3A_130, %dma_wait3A_137] : memref<1024x16xf32, #tpu.memory_space<hbm>> -> memref<32x16xf32, #tpu.memory_space<hbm>>
      tpu.wait_dma2 semaphore(%run_scoped3A : memref<!tpu.dma_semaphore, #tpu.memory_space<semaphore_mem>>) src(%arg16 : memref<32x16xf32, #tpu.memory_space<vmem>>) dst(%dma_wait3A_138 : memref<32x16xf32, #tpu.memory_space<hbm>>)
      tpu.yield
    }) : () -> ()
    "tpu.region"() ({
      %run_scoped3A = tpu.sem_alloc : memref<!tpu.dma_semaphore, #tpu.memory_space<semaphore_mem>>
      %dma_start3A_131 = arith.constant 0 : i32
      %dma_start3A_132 = tpu.memref_slice %arg7[%mul3A_130, %dma_start3A_131] : memref<1024x16xf32, #tpu.memory_space<hbm>> -> memref<32x16xf32, #tpu.memory_space<hbm>>
      %dma_start3A_133 = arith.constant 0 : i32
      %dma_start3A_134 = tpu.memref_slice %arg7[%mul3A_130, %dma_start3A_133] : memref<1024x16xf32, #tpu.memory_space<hbm>> -> memref<32x16xf32, #tpu.memory_space<hbm>>
      tpu.enqueue_dma source(%arg17 : memref<32x16xf32, #tpu.memory_space<vmem>>) target(%dma_start3A_134 : memref<32x16xf32, #tpu.memory_space<hbm>>) target_semaphore(%run_scoped3A : memref<!tpu.dma_semaphore, #tpu.memory_space<semaphore_mem>>)
      %dma_wait3A_135 = arith.constant 0 : i32
      %dma_wait3A_136 = tpu.memref_slice %arg7[%mul3A_130, %dma_wait3A_135] : memref<1024x16xf32, #tpu.memory_space<hbm>> -> memref<32x16xf32, #tpu.memory_space<hbm>>
      %dma_wait3A_137 = arith.constant 0 : i32
      %dma_wait3A_138 = tpu.memref_slice %arg7[%mul3A_130, %dma_wait3A_137] : memref<1024x16xf32, #tpu.memory_space<hbm>> -> memref<32x16xf32, #tpu.memory_space<hbm>>
      tpu.wait_dma2 semaphore(%run_scoped3A : memref<!tpu.dma_semaphore, #tpu.memory_space<semaphore_mem>>) src(%arg17 : memref<32x16xf32, #tpu.memory_space<vmem>>) dst(%dma_wait3A_138 : memref<32x16xf32, #tpu.memory_space<hbm>>)
      tpu.yield
    }) : () -> ()
    return
  }
}

module attributes {stable_mosaic.version = 14 : i64} {
  func.func @_tc_cosine_body(%arg0: memref<128x128xf32, #tpu.memory_space<vmem>>, %arg1: memref<128x128xf32, #tpu.memory_space<vmem>>, %arg2: memref<128x128xf32, #tpu.memory_space<vmem>>, %arg3: memref<128x128xf32, #tpu.memory_space<vmem>>) attributes {dimension_semantics = [], scalar_prefetch = 0 : i64, scratch_operands = 0 : i64, tpu.core_type = #tpu.core_type<tc>} {
    %get3A = arith.constant 0 : index
    %get3A_0 = arith.constant 0 : index
    %get3A_1 = vector.load %arg0[%get3A, %get3A_0] : memref<128x128xf32, #tpu.memory_space<vmem>>, vector<128x128xf32>
    %get3A_2 = arith.constant 0 : index
    %get3A_3 = arith.constant 0 : index
    %get3A_4 = vector.load %arg1[%get3A_2, %get3A_3] : memref<128x128xf32, #tpu.memory_space<vmem>>, vector<128x128xf32>
    %max3A = arith.constant 9.99999996E-13 : f32
    %max3A_5 = vector.broadcast %max3A : f32 to vector<128x128xf32>
    %max3A_6 = arith.maximumf %get3A_4, %max3A_5 : vector<128x128xf32>
    %rsqrt3A = math.rsqrt %max3A_6 : vector<128x128xf32>
    %mul3A = arith.mulf %get3A_1, %rsqrt3A : vector<128x128xf32>
    %get3A_7 = arith.constant 0 : index
    %get3A_8 = arith.constant 0 : index
    %get3A_9 = vector.load %arg2[%get3A_7, %get3A_8] : memref<128x128xf32, #tpu.memory_space<vmem>>, vector<128x128xf32>
    %max3A_10 = arith.constant 9.99999996E-13 : f32
    %max3A_11 = vector.broadcast %max3A_10 : f32 to vector<128x128xf32>
    %max3A_12 = arith.maximumf %get3A_9, %max3A_11 : vector<128x128xf32>
    %rsqrt3A_13 = math.rsqrt %max3A_12 : vector<128x128xf32>
    %mul3A_14 = arith.mulf %mul3A, %rsqrt3A_13 : vector<128x128xf32>
    %swap3A = arith.constant 0 : index
    %swap3A_15 = arith.constant 0 : index
    %swap3A_16 = vector.load %arg3[%swap3A, %swap3A_15] : memref<128x128xf32, #tpu.memory_space<vmem>>, vector<128x128xf32>
    tpu.vector_store %arg3[%swap3A, %swap3A_15], %mul3A_14 {strides = array<i32>} : memref<128x128xf32, #tpu.memory_space<vmem>>, vector<128x128xf32>,
    return
  }
}

</mosaic_0001>

<sc_bundles>
// kernel: kernel.4.cloned.1.call-start
scs
__scs_entry_jumppad:
0x0: {  	(pc) =	sbr.rel $0x88, $3  }
0x1: {  	(tag) =	ssettag $0x0;
	lr =	simm.s32 $0x1  }
0x2: {  	[smem:$0x3F9F] =	sst lr;
	_ =	strace $0xD0000000  }
0x3: {  	_ = 	snop  }
0x4: {  	_ = 	snop  }
0x5: {  	_ = 	snop  }
0x6: {  	_ = 	snop  }
0x7: {  	_ = 	snop  }
__scs_overlays_trampoline_lowered:
0x8: {  	[smem:$0x3FAE] =	sst s0  }
0x9: {  	[smem:$0x3FAF] =	sst s1  }
0xa: {  	[smem:$0x3FB0] =	sst s2  }
0xb: {  	[smem:$0x3FB1] =	sst s3  }
0xc: {  	[smem:$0x3FB2] =	sst s4  }
0xd: {  	[smem:$0x3FB3] =	sst s5  }
0xe: {  	[smem:$0x3FB4] =	sst s6  }
0xf: {  	[smem:$0x3FB5] =	sst s7  }
0x10: {  	[smem:$0x3FB6] =	sst s8  }
0x11: {  	[smem:$0x3FB7] =	sst s9;
	s0 =	simm.s32 @!p0 $0x0  }
0x12: {  	s1 =	sld [smem:$0x3F9D];
	s0 =	simm.s32 @p0 $0x1  }
0x13: {  	[smem:$0x3FB8] =	sst s0;
	s0 =	simm.s32 @!p1 $0x0  }
0x14: {  	s2 =	sld [smem:$0x3F9C];
	s0 =	simm.s32 @p1 $0x1  }
0x15: {  	[smem:$0x3FB9] =	sst s0;
	s0 =	simm.s32 @!p2 $0x0  }
0x16: {  	s3 =	sld [smem:$0x3FDB];
	s0 =	simm.s32 @p2 $0x1  }
0x17: {  	s4 =	simm.s32 $0x1BF5;
	[smem:$0x3FBB] =	sst s0  }
0x18: {  	s0 =	sld [smem:$0x3F9E];
	_ =	swait.ge [sflag:s4], $0x0  }
0x19: {  	s7 =	sld [smem:$0x3F9F]  }
0x1a: {  	s8 =	sadd.s32 $0xFFFFE003, lr  }
0x1b: {  	s9 =	sadd.s32 $0xFFFFFEF7, lr;
	s5 =	simm.s32 $0xFFFFFFFF;
	p2 =	slt.u32 s8, $0xFFFFF086  }
0x1c: {  	p1 =	slt.u32 s9, $0xF7A;
	s5 =	simm.s32 @!p2 $0x0  }
0x1d: {  	s5 =	simm.s32 @p1 $0x1;
	p0 =	seq.s32 s7, s2  }
0x1e: {  	s7 =	smul.u32 @!p0 $0xF7A, s2;
	p2 =	seq.s32 @!p0 s5, $0x0  }
0x1f: {  	s9 =	smul.u32 $0xF7A, s1;
	s8 =	simm.s32 @!p0 $0x1BF5;
	p2 =	por !p2, p0  }
0x20: {  	[sflag:s8] =	ssyncset.s32 @!p0 $0xFFFFF086;
	s6 =	sadd.s32 @!p0 s3, s7;
	s7 =	simm.s32 @!p0 $0x108  }
0x21: {  	s3 =	sadd.s32 s3, s9;
	s6 =	sadd.s32 @!p0 $0x88, s6;
	s7 =	simm.s32 @p2 $0x1082  }
0x22: {  	[simem:s7], [sflag:s8] =	dma.local @!p0 [hbm:s6], $0xF7A  }
0x23: {  	s9 =	sor.u32 $0xD0000000, s2;
	s6 =	simm.s32 $0x108;
	_ =	swait.ge @!p0 [sflag:s8], $0x0  }
0x24: {  	s3 =	sadd.s32 $0x88, s3;
	s6 =	simm.s32 @!p1 $0x1082;
	[sflag:s4] =	ssyncset.s32 $0xFFFFF086  }
0x25: {  	[simem:s6], [sflag:s4] =	dma.local [hbm:s3], $0xF7A  }
0x26: {  	[smem:$0x3F9F] =	sst s1;
	(tag) =	ssettag s2;
	_ =	strace s9  }
0x27: {  	s1 =	sld [smem:$0x3FAF]  }
0x28: {  	s2 =	sld [smem:$0x3FB0]  }
0x29: {  	s4 =	sld [smem:$0x3FB2]  }
0x2a: {  	p0 =	seq.s32 s5, $0x0;
	s5 =	sld [smem:$0x3FB3]  }
0x2b: {  	s6 =	sld [smem:$0x3FB4]  }
0x2c: {  	s7 =	sld [smem:$0x3FB5]  }
0x2d: {  	s3 =	simm.s32 $0x108;
	s8 =	sld [smem:$0x3FB6]  }
0x2e: {  	s3 =	simm.s32 @!p0 $0x1082;
	s9 =	sld [smem:$0x3FB7]  }
0x2f: {  	lr =	sadd.s32 s0, s3;
	s0 =	sld [smem:$0x3FAE]  }
0x30: {  	s3 =	sld [smem:$0x3FB1]  }
0x31: {  	[smem:$0x3FBA] =	sst s10  }
0x32: {  	s10 =	sld [smem:$0x3FB8];
	_ =	sdelay $0x3  }
0x33: {  	p0 =	seq.s32 s10, $0x1;
	s10 =	sld [smem:$0x3FBA];
	_ =	sdelay $0x3  }
0x34: {  	[smem:$0x3FBA] =	sst s10  }
0x35: {  	s10 =	sld [smem:$0x3FB9];
	_ =	sdelay $0x3  }
0x36: {  	p1 =	seq.s32 s10, $0x1;
	s10 =	sld [smem:$0x3FBA];
	_ =	sdelay $0x3  }
0x37: {  	[smem:$0x3FBA] =	sst s10  }
0x38: {  	s10 =	sld [smem:$0x3FBB]  }
0x39: {  	_ = 	snop;
	(pc) =	sbr.ind lr, $3  }
0x3a: {  	_ = 	snop  }
0x3b: {  	_ = 	snop  }
0x3c: {  	p2 =	seq.s32 s10, $0x1;
	s10 =	sld [smem:$0x3FBA]  }
0x3d: {  	_ =	shalt  }
0x3e: {  	_ =	shalt  }
0x3f: {  	_ =	shalt  }
0x40: {  	_ =	shalt  }
0x41: {  	_ =	shalt  }
0x42: {  	_ =	shalt  }
0x43: {  	_ =	shalt  }
0x44: {  	_ =	shalt  }
0x45: {  	_ =	shalt  }
0x46: {  	_ =	shalt  }
0x47: {  	_ =	shalt  }
0x48: {  	_ =	shalt  }
0x49: {  	_ =	shalt  }
0x4a: {  	_ =	shalt  }
0x4b: {  	_ =	shalt  }
0x4c: {  	_ =	shalt  }
0x4d: {  	_ =	shalt  }
0x4e: {  	_ =	shalt  }
0x4f: {  	_ =	shalt  }
0x50: {  	_ =	shalt  }
0x51: {  	_ =	shalt  }
0x52: {  	_ =	shalt  }
0x53: {  	_ =	shalt  }
0x54: {  	_ =	shalt  }
0x55: {  	_ =	shalt  }
0x56: {  	_ =	shalt  }
0x57: {  	_ =	shalt  }
0x58: {  	_ =	shalt  }
0x59: {  	_ =	shalt  }
0x5a: {  	_ =	shalt  }
0x5b: {  	_ =	shalt  }
0x5c: {  	_ =	shalt  }
0x5d: {  	_ =	shalt  }
0x5e: {  	_ =	shalt  }
0x5f: {  	_ =	shalt  }
0x60: {  	_ =	shalt  }
0x61: {  	_ =	shalt  }
0x62: {  	_ =	shalt  }
0x63: {  	_ =	shalt  }
0x64: {  	_ =	shalt  }
0x65: {  	_ =	shalt  }
0x66: {  	_ =	shalt  }
0x67: {  	_ =	shalt  }
0x68: {  	_ =	shalt  }
0x69: {  	_ =	shalt  }
0x6a: {  	_ =	shalt  }
0x6b: {  	_ =	shalt  }
0x6c: {  	_ =	shalt  }
0x6d: {  	_ =	shalt  }
0x6e: {  	_ =	shalt  }
0x6f: {  	_ =	shalt  }
0x70: {  	_ =	shalt  }
0x71: {  	_ =	shalt  }
0x72: {  	_ =	shalt  }
0x73: {  	_ =	shalt  }
0x74: {  	_ =	shalt  }
0x75: {  	_ =	shalt  }
0x76: {  	_ =	shalt  }
0x77: {  	_ =	shalt  }
0x78: {  	_ =	shalt  }
0x79: {  	_ =	shalt  }
0x7a: {  	_ =	shalt  }
0x7b: {  	_ =	shalt  }
0x7c: {  	_ =	shalt  }
0x7d: {  	_ =	shalt  }
0x7e: {  	_ =	shalt  }
0x7f: {  	_ =	shalt  }
0x80: {  	_ =	shalt  }
0x81: {  	_ =	shalt  }
0x82: {  	_ =	shalt  }
0x83: {  	_ =	shalt  }
0x84: {  	_ =	shalt  }
0x85: {  	_ =	shalt  }
0x86: {  	_ =	shalt  }
0x87: {  	_ =	shalt  }
.Lfunc_end0:
.L_simem_size_0:
called_computation_lowered:
.L_overlay_start_0:
0x88: {  	s2 =	sld [smem:$0x3FD9]  }
0x89: {  	s3 =	sld [smem:$0x3FFE];
	_ =	sdelay $0x1  }
0x8a: {  	s1 =	srdreg.scid  }
0x8b: {  	s0 =	sand.u32 $0x1, s1  }
0x8c: {  	s16 =	sshll.u32 s0, $0xA;
	s2 =	sadd.s32 s3, s2  }
0x8d: {  	s2 =	sadd.s32 s2, s16  }
0x8e: {  	[smem:$0x3FC6] =	sst s2  }
0x8f: {  	_ = 	snop  }
0x90: {  	(tm) =	ssettm $0x1  }
0x91: {  	s17 =	sld [smem:$0x3FFB];
	_ =	sdelay $0x3  }
0x92: {  	_ =	strace s17  }
0x93: {  	s2 =	sld [smem:$0x3FFC];
	_ =	sdelay $0x3  }
0x94: {  	_ =	strace s2  }
0x95: {  	s2 =	sld [smem:$0x3FFD];
	_ =	sdelay $0x3  }
0x96: {  	_ =	strace s2  }
0x97: {  	_ =	strace $0x8FFFFFFF  }
0x98: {  	s18 =	sld [smem:$0x3FDB];
	_ =	sdelay $0x1  }
0x99: {  	s19 =	simm.s32 $_scs_section_size  }
0x9a: {  	s4 =	simm.s32 $_size__tile_overlayer_lowered;
	s5 =	simm.s32 $_tile_overlayer_lowered  }
0x9b: {  	s22 =	simm.s32 $0x1BFF;
	s21 =	sshll.u32 s5, $0x1;
	s2 =	sadd.s32 s19, s18  }
0x9c: {  	s6 =	simm.s32 $0x0;
	s20 =	sshll.u32 s4, $0x1;
	s4 =	sadd.s32 s21, s2  }
0x9d: {  	[timem:s6], [sflag:s22] =	dma.local [hbm:s4], s20  }
0x9e: {  	_ =	swait.ge [sflag:s22], s20  }
0x9f: {  	s3 =	ssub.s32 $0x0, s20;
	[sflag:s22] =	ssyncset.done $0x0  }
0xa0: {  	[sflag:s22] =	ssyncadd.s32 s3;
	_ =	sdelay $0x1  }
0xa1: {  	s23 =	simm.s32 $0x1B8B  }
0xa2: {  	_ =	swait.ge [sflag:s23], $0x1  }
0xa3: {  	[sflag:s23] =	ssyncset.done $0x0  }
0xa4: {  	s25 =	simm.s32 $0x1B8E;
	s24 =	sld [smem:$0x3FFE];
	[sflag:s23] =	ssyncadd.s32 $0xFFFFFFFF  }
0xa5: {  	s26 =	simm.s32 $execute0_lowered;
	[smem:$0x3FD2] =	sst s25  }
0xa6: {  	s4 =	sshll.u32 s26, $0x1;
	_ =	strace $0x80000046;
	[dreg:$0x1] =	wrdreg $0xFFFFFFFF  }
0xa7: {  	s28 =	simm.s32 $_size_execute0_lowered;
	s2 =	sadd.s32 s2, s4;
	[dreg:$0x0] =	wrdreg $0x0  }
0xa8: {  	s4 =	sshll.u32 s28, $0x1;
	[dreg:$0x2] =	wrdreg s2  }
0xa9: {  	[dreg:$0x3] =	wrdreg s4  }
0xaa: {  	[dreg:$0x4] =	wrdreg $0xC0  }
0xab: {  	_ =	task [dreg:s6], $0x5FFFF  }
0xac: {  	[dreg:$0x1] =	wrdreg $0xFFFFFFFF  }
0xad: {  	[dreg:$0x0] =	wrdreg $0x60  }
0xae: {  	[dreg:$0x2] =	wrdreg s24  }
0xaf: {  	[dreg:$0x3] =	wrdreg $0x9  }
0xb0: {  	_ =	task.clear_ibuf [dreg:s6], $0x4FFFF;
	_ =	strace $0x90000046  }
0xb1: {  	s29 =	simm.s32 $0x9;
	_ =	strace $0x80000048  }
0xb2: {  	_ =	swait.ge [sflag:s29], $0x1  }
0xb3: {  	[sflag:s29] =	ssyncadd.s32 $0xFFFFFFFF  }
0xb4: {  	_ =	strace $0x90000048  }
0xb5: {  	_ =	sfence  }
0xb6: {  	s30 =	sld [smem:$0x0];
	_ =	sdelay $0x2  }
0xb7: {  	s31 =	sshll.u32 s1, $0xD;
	s1 =	sshrl.u32 s1, $0x2  }
0xb8: {  	s3 =	sand.u32 $0x4000, s31;
	s1 =	sadd.s32 s1, s30  }
0xb9: {  	s0 =	sor.u32 s3, s0;
	s1 =	sshll.u32 s1, $0x11  }
0xba: {  	s0 =	sor.u32 s1, s0  }
0xbb: {  	s0 =	sadd.s32 $0x8F2B, s0  }
0xbc: {  	[sflag:s0] =	ssyncadd.remote.s32 $0x1  }
0xbd: {  	_ =	sfence.sel $0xFFFF  }
0xbe: {  	[dreg:$0x0] =	wrdreg $0xFFFFFFFF;
	(pc) =	sbr.abs _section_cstart, $3  }
0xbf: {  	[dreg:$0x1] =	wrdreg $0xFFFFFFFF  }
0xc0: {  	_ =	task.clear_ibuf [dreg:s6], $0x2FFFF;
	_ =	strace $0x9FFFFFFF  }
0xc1: {  	(tm) =	ssettm $0x7FFFFFFF  }
tec
execute0_lowered:
.L_overlay_start_1:
0x0: {  	(tag) =	ssettag $0x1  }
0x1: {  	s1 =	srdreg.scid  }
0x2: {  	s0 =	stileid.u32;
	s25 =	sand.u32 $0x1, s1  }
0x3: {  	s31 =	sshll.u32 s0, $0xA;
	s2 =	sshll.u32 s25, $0x9  }
0x4: {  	s11 =	rddreg [dreg:$0x0];
	s7 =	sor.u32 s2, s31  }
0x5: {  	s1 =	rddreg [dreg:$0x1];
	s2 =	simm.s32 $0x0;
	s3 =	sshrl.u32 s7, $0x3  }
0x6: {  	[smem:$0x7FF] =	sst s2;
	s5 =	sadd.s32 s3, s11  }
0x7: {  	_ =	strace $0x80000047;
	s3 =	simm.s32 $0x2;
	s4 =	sadd.s32 $0xA00, s5  }
0x8: {  	[tilespmem:s2], [sflag:$0x2] =	stream.linear.gather [hbm4b:s4+s2], $0x200, $0x38;
	[tilespmem:$0x15480] =	vst v63  }
0x9: {  	_ =	swait.ge [sflag:s3], $0x200  }
0xa: {  	[sflag:s3] =	ssyncset.done $0x0  }
0xb: {  	s6 =	simm.s32 $0x200;
	s5 =	sadd.s32 $0x1200, s5;
	[sflag:s3] =	ssyncadd.s32 $0xFFFFFE00  }
0xc: {  	[tilespmem:s6], [sflag:$0x2] =	stream.linear.gather [hbm4b:s5+s2], $0x200, $0x38;
	[tilespmem:$0x15480] =	vst v63  }
0xd: {  	_ =	swait.ge [sflag:s3], $0x200  }
0xe: {  	s28 =	sadd.s32 s7, s11;
	[sflag:s3] =	ssyncset.done $0x0  }
0xf: {  	s8 =	simm.s32 $0x400;
	s7 =	sadd.s32 $0x1A00, s28;
	[sflag:s3] =	ssyncadd.s32 $0xFFFFFE00  }
0x10: {  	[tilespmem:s8], [sflag:$0x2] =	stream.linear.gather [hbm4b:s7+s2], $0x1000, $0x38;
	[tilespmem:$0x15480] =	vst v63  }
0x11: {  	_ =	swait.ge [sflag:s3], $0x1000  }
0x12: {  	[sflag:s3] =	ssyncset.done $0x0  }
0x13: {  	s10 =	simm.s32 $0x1400;
	s9 =	sadd.s32 $0x5A00, s28;
	[sflag:s3] =	ssyncadd.s32 $0xFFFFF000  }
0x14: {  	[tilespmem:s10], [sflag:$0x2] =	stream.linear.gather [hbm4b:s9+s2], $0x1000, $0x38;
	[tilespmem:$0x15480] =	vst v63  }
0x15: {  	_ =	swait.ge [sflag:s3], $0x1000  }
0x16: {  	[sflag:s3] =	ssyncset.done $0x0  }
0x17: {  	v0 =	vimm.f32 $0.0e+00;
	[sflag:s3] =	ssyncadd.s32 $0xFFFFF000  }
0x18: {  	s12 =	simm.s32 $0x80;
	s13 =	simm.s32 $0x2400;
	s11 =	sadd.s32 $0xF4BE00, s11;
	[tilespmem:$0x12430] =	vst v0  }
0x19: {  	[tilespmem:s13], [sflag:$0x1] =	stream.indirect.gather [hbm4b:s11+s12], $0x80, s2, s12, $0xb8;
	[tilespmem:$0x15480] =	vst v63  }
0x1a: {  	s14 =	simm.s32 $0x6400  }
0x1b: {  	[tilespmem:s14], [sflag:$0x1] =	stream.indirect.gather [hbm4b:s11+s12], $0x80, s6, s12, $0xb8;
	[tilespmem:$0x15480] =	vst v63  }
0x1c: {  	s15 =	simm.s32 $0xA400  }
0x1d: {  	[tilespmem:s15], [sflag:$0x1] =	stream.indirect.gather [hbm4b:s11+s12], $0x80, s12, s12, $0xb8;
	[tilespmem:$0x15480] =	vst v63  }
0x1e: {  	s16 =	simm.s32 $0x280;
	s17 =	simm.s32 $0xE400;
	s18 =	simm.s32 $0x1  }
0x1f: {  	[tilespmem:s17], [sflag:$0x1] =	stream.indirect.gather [hbm4b:s11+s12], $0x80, s16, s12, $0xb8;
	[tilespmem:$0x15480] =	vst v63  }
0x20: {  	_ =	swait.ge [sflag:s18], $0x4000  }
0x21: {  	[sflag:s18] =	ssyncset.done $0x0  }
0x22: {  	[sflag:s18] =	ssyncadd.s32 $0xFFFFC000  }
0x23: {  	_ =	swait.ge [sflag:s18], $0x4000  }
0x24: {  	[sflag:s18] =	ssyncset.done $0x0  }
0x25: {  	s19 =	simm.s32 $0x100;
	[sflag:s18] =	ssyncadd.s32 $0xFFFFC000  }
0x26: {  	[tilespmem:s13], [sflag:$0x1] =	stream.indirect.gather [hbm4b:s11+s12], $0x80, s19, s12, $0xb8;
	[tilespmem:$0x15480] =	vst v63  }
0x27: {  	s20 =	simm.s32 $0x300  }
0x28: {  	[tilespmem:s14], [sflag:$0x1] =	stream.indirect.gather [hbm4b:s11+s12], $0x80, s20, s12, $0xb8;
	[tilespmem:$0x15480] =	vst v63  }
0x29: {  	_ =	swait.ge [sflag:s18], $0x4000  }
0x2a: {  	[sflag:s18] =	ssyncset.done $0x0  }
0x2b: {  	[sflag:s18] =	ssyncadd.s32 $0xFFFFC000  }
0x2c: {  	_ =	swait.ge [sflag:s18], $0x4000  }
0x2d: {  	[sflag:s18] =	ssyncset.done $0x0  }
0x2e: {  	s21 =	simm.s32 $0x180;
	[sflag:s18] =	ssyncadd.s32 $0xFFFFC000  }
0x2f: {  	[tilespmem:s15], [sflag:$0x1] =	stream.indirect.gather [hbm4b:s11+s12], $0x80, s21, s12, $0xb8;
	[tilespmem:$0x15480] =	vst v63  }
0x30: {  	s22 =	simm.s32 $0x380  }
0x31: {  	[tilespmem:s17], [sflag:$0x1] =	stream.indirect.gather [hbm4b:s11+s12], $0x80, s22, s12, $0xb8;
	[tilespmem:$0x15480] =	vst v63  }
0x32: {  	_ =	swait.ge [sflag:s18], $0x4000  }
0x33: {  	[sflag:s18] =	ssyncset.done $0x0  }
0x34: {  	[sflag:s18] =	ssyncadd.s32 $0xFFFFC000  }
0x35: {  	_ =	swait.ge [sflag:s18], $0x4000  }
0x36: {  	[sflag:s18] =	ssyncset.done $0x0  }
0x37: {  	[sflag:s18] =	ssyncadd.s32 $0xFFFFC000  }
0x38: {  	_ =	swait.ge [sflag:s18], $0x4000  }
0x39: {  	[sflag:s18] =	ssyncset.done $0x0  }
0x3a: {  	[sflag:s18] =	ssyncadd.s32 $0xFFFFC000  }
0x3b: {  	_ =	swait.ge [sflag:s18], $0x4000  }
0x3c: {  	s24 =	simm.s32 $0x12480;
	[sflag:s18] =	ssyncset.done $0x0  }
0x3d: {  	s29 =	ssub.s32 $0x2, s25;
	s23 =	sadd.s32 $0x9A00, s28;
	[sflag:s18] =	ssyncadd.s32 $0xFFFFC000  }
0x3e: {  	[hbm4b:s23+s2] =	stream.linear.scatter [tilespmem:s24], [sflag:$0x2], $0x1000, $0x38;
	[tilespmem:$0x15480] =	vst v63  }
0x3f: {  	s30 =	sshrl.u32 s29, $0x1;
	_ =	swait.ge [sflag:s3], $0x1000  }
0x40: {  	s26 =	simm.s32 $0x13480;
	s29 =	ssub.s32 s29, s30;
	[sflag:s3] =	ssyncset.done $0x0  }
0x41: {  	s25 =	sadd.s32 $0xDA00, s28;
	s30 =	smax.u32 s29, $0x1;
	[sflag:s3] =	ssyncadd.s32 $0xFFFFF000  }
0x42: {  	[hbm4b:s25+s2] =	stream.linear.scatter [tilespmem:s26], [sflag:$0x2], $0x1000, $0x38;
	[tilespmem:$0x15480] =	vst v63  }
0x43: {  	p0 =	sne.s32 s30, $0x1;
	_ =	swait.ge [sflag:s3], $0x1000  }
.Ltmp0:
0x44: {  	[sflag:s3] =	ssyncset.done $0x0;
	(pc) =	sbr.rel @!p0 .LBB2_2-.Ltmp0, $4  }
0x45: {  	s28 =	sadd.s32 $0x11A00, s28;
	s29 =	simm.s32 $0x14480;
	[sflag:s3] =	ssyncadd.s32 $0xFFFFF000  }
0x46: {  	[hbm4b:s28+s2] =	stream.linear.scatter [tilespmem:s29], [sflag:$0x2], $0x1000, $0x38;
	[tilespmem:$0x15480] =	vst v63  }
0x47: {  	_ =	swait.ge [sflag:s3], $0x1000  }
0x48: {  	s30 =	sadd.s32 $0xFFFFFFFF, s30;
	[sflag:s3] =	ssyncset.done $0x0  }
.LBB2_1:
0x49: {  	p0 =	sne.s32 s30, $0x1;
	s30 =	sadd.s32 $0xFFFFFFFF, s30;
	[sflag:s3] =	ssyncadd.s32 $0xFFFFF000  }
0x4a: {  	[tilespmem:s2], [sflag:$0x2] =	stream.linear.gather [hbm4b:s4+s2], $0x200, $0x38;
	[tilespmem:$0x15480] =	vst v63  }
0x4b: {  	_ =	swait.ge [sflag:s3], $0x200  }
0x4c: {  	[sflag:s3] =	ssyncset.done $0x0  }
0x4d: {  	[sflag:s3] =	ssyncadd.s32 $0xFFFFFE00  }
0x4e: {  	[tilespmem:s6], [sflag:$0x2] =	stream.linear.gather [hbm4b:s5+s2], $0x200, $0x38;
	[tilespmem:$0x15480] =	vst v63  }
0x4f: {  	_ =	swait.ge [sflag:s3], $0x200  }
0x50: {  	[sflag:s3] =	ssyncset.done $0x0  }
0x51: {  	[sflag:s3] =	ssyncadd.s32 $0xFFFFFE00  }
0x52: {  	[tilespmem:s8], [sflag:$0x2] =	stream.linear.gather [hbm4b:s7+s2], $0x1000, $0x38;
	[tilespmem:$0x15480] =	vst v63  }
0x53: {  	_ =	swait.ge [sflag:s3], $0x1000  }
0x54: {  	[sflag:s3] =	ssyncset.done $0x0  }
0x55: {  	[sflag:s3] =	ssyncadd.s32 $0xFFFFF000  }
0x56: {  	[tilespmem:s10], [sflag:$0x2] =	stream.linear.gather [hbm4b:s9+s2], $0x1000, $0x38;
	[tilespmem:$0x15480] =	vst v63  }
0x57: {  	_ =	swait.ge [sflag:s3], $0x1000  }
0x58: {  	[sflag:s3] =	ssyncset.done $0x0  }
0x59: {  	[sflag:s3] =	ssyncadd.s32 $0xFFFFF000  }
0x5a: {  	[tilespmem:$0x12430] =	vst v0  }
0x5b: {  	[tilespmem:s13], [sflag:$0x1] =	stream.indirect.gather [hbm4b:s11+s12], $0x80, s2, s12, $0xb8;
	[tilespmem:$0x15480] =	vst v63  }
0x5c: {  	_ = 	snop  }
0x5d: {  	[tilespmem:s14], [sflag:$0x1] =	stream.indirect.gather [hbm4b:s11+s12], $0x80, s6, s12, $0xb8;
	[tilespmem:$0x15480] =	vst v63  }
0x5e: {  	_ = 	snop  }
0x5f: {  	[tilespmem:s15], [sflag:$0x1] =	stream.indirect.gather [hbm4b:s11+s12], $0x80, s12, s12, $0xb8;
	[tilespmem:$0x15480] =	vst v63  }
0x60: {  	_ = 	snop  }
0x61: {  	[tilespmem:s17], [sflag:$0x1] =	stream.indirect.gather [hbm4b:s11+s12], $0x80, s16, s12, $0xb8;
	[tilespmem:$0x15480] =	vst v63  }
0x62: {  	_ =	swait.ge [sflag:s18], $0x4000  }
0x63: {  	[sflag:s18] =	ssyncset.done $0x0  }
0x64: {  	[sflag:s18] =	ssyncadd.s32 $0xFFFFC000  }
0x65: {  	_ =	swait.ge [sflag:s18], $0x4000  }
0x66: {  	[sflag:s18] =	ssyncset.done $0x0  }
0x67: {  	[sflag:s18] =	ssyncadd.s32 $0xFFFFC000  }
0x68: {  	[tilespmem:s13], [sflag:$0x1] =	stream.indirect.gather [hbm4b:s11+s12], $0x80, s19, s12, $0xb8;
	[tilespmem:$0x15480] =	vst v63  }
0x69: {  	_ = 	snop  }
0x6a: {  	[tilespmem:s14], [sflag:$0x1] =	stream.indirect.gather [hbm4b:s11+s12], $0x80, s20, s12, $0xb8;
	[tilespmem:$0x15480] =	vst v63  }
0x6b: {  	_ =	swait.ge [sflag:s18], $0x4000  }
0x6c: {  	[sflag:s18] =	ssyncset.done $0x0  }
0x6d: {  	[sflag:s18] =	ssyncadd.s32 $0xFFFFC000  }
0x6e: {  	_ =	swait.ge [sflag:s18], $0x4000  }
0x6f: {  	[sflag:s18] =	ssyncset.done $0x0  }
0x70: {  	[sflag:s18] =	ssyncadd.s32 $0xFFFFC000  }
0x71: {  	[tilespmem:s15], [sflag:$0x1] =	stream.indirect.gather [hbm4b:s11+s12], $0x80, s21, s12, $0xb8;
	[tilespmem:$0x15480] =	vst v63  }
0x72: {  	_ = 	snop  }
0x73: {  	[tilespmem:s17], [sflag:$0x1] =	stream.indirect.gather [hbm4b:s11+s12], $0x80, s22, s12, $0xb8;
	[tilespmem:$0x15480] =	vst v63  }
0x74: {  	_ =	swait.ge [sflag:s18], $0x4000  }
0x75: {  	[sflag:s18] =	ssyncset.done $0x0  }
0x76: {  	[sflag:s18] =	ssyncadd.s32 $0xFFFFC000  }
0x77: {  	_ =	swait.ge [sflag:s18], $0x4000  }
0x78: {  	[sflag:s18] =	ssyncset.done $0x0  }
0x79: {  	[sflag:s18] =	ssyncadd.s32 $0xFFFFC000  }
0x7a: {  	_ =	swait.ge [sflag:s18], $0x4000  }
0x7b: {  	[sflag:s18] =	ssyncset.done $0x0  }
0x7c: {  	[sflag:s18] =	ssyncadd.s32 $0xFFFFC000  }
0x7d: {  	_ =	swait.ge [sflag:s18], $0x4000  }
0x7e: {  	[sflag:s18] =	ssyncset.done $0x0  }
0x7f: {  	[sflag:s18] =	ssyncadd.s32 $0xFFFFC000  }
0x80: {  	[hbm4b:s23+s2] =	stream.linear.scatter [tilespmem:s24], [sflag:$0x2], $0x1000, $0x38;
	[tilespmem:$0x15480] =	vst v63  }
0x81: {  	_ =	swait.ge [sflag:s3], $0x1000  }
0x82: {  	[sflag:s3] =	ssyncset.done $0x0  }
0x83: {  	[sflag:s3] =	ssyncadd.s32 $0xFFFFF000  }
0x84: {  	[hbm4b:s25+s2] =	stream.linear.scatter [tilespmem:s26], [sflag:$0x2], $0x1000, $0x38;
	[tilespmem:$0x15480] =	vst v63  }
0x85: {  	_ =	swait.ge [sflag:s3], $0x1000  }
.Ltmp1:
0x86: {  	[sflag:s3] =	ssyncset.done $0x0;
	(pc) =	sbr.rel @p0 .LBB2_1-.Ltmp1, $4  }
0x87: {  	[sflag:s3] =	ssyncadd.s32 $0xFFFFF000  }
0x88: {  	[hbm4b:s28+s2] =	stream.linear.scatter [tilespmem:s29], [sflag:$0x2], $0x1000, $0x38;
	[tilespmem:$0x15480] =	vst v63  }
0x89: {  	_ =	swait.ge [sflag:s3], $0x1000  }
0x8a: {  	[sflag:s3] =	ssyncset.done $0x0  }
.LBB2_2:
0x8b: {  	[sflag:s3] =	ssyncadd.s32 $0xFFFFF000  }
0x8c: {  	_ =	sfence.sel $0x180000  }
0x8d: {  	[bflag:$0x0] =	sbarrier.arrive $0xFFFF  }
0x8e: {  	p0 =	sne.s32 s0, $0x0;
	_ =	strace $0x90000047  }
0x8f: {  	s0 =	sadd.s32 @!p0 $0x100000, s1;
	[bflag:$0x2] =	sbarrier.arrive $0xFFFF  }
0x90: {  	[sflag:s0] =	ssyncadd.tile.s32 @!p0 $0x1;
	_ =	shalt  }
.Lfunc_end2:
_tile_overlayer_lowered:
.L_overlay_start_2:
0x91: {  	(tag) =	ssettag $0x2  }
0x92: {  	s0 =	rddreg [dreg:$0x0];
	s2 =	stileid.u32  }
0x93: {  	s1 =	rddreg [dreg:$0x1];
	p0 =	sne.s32 s2, $0x0  }
0x94: {  	s3 =	rddreg [dreg:$0x2];
	[bflag:$0x3] =	sbarrier.arrive $0xFFFF;
	s2 =	simm.s32 @!p0 $0x1C02  }
0x95: {  	[timem:s3], [sflag:s2] =	dma.local @!p0 [hbm:s0], s1  }
0x96: {  	s0 =	simm.s32 @!p0 $0x2  }
0x97: {  	_ =	swait.ge @!p0 [sflag:s0], s1  }
0x98: {  	s1 =	ssub.s32 @!p0 $0x0, s1;
	[sflag:s0] =	ssyncset.done @!p0 $0x0  }
0x99: {  	[sflag:s0] =	ssyncadd.s32 @!p0 s1  }
0x9a: {  	[bflag:$0x3] =	sbarrier.arrive $0xFFFF  }
0x9b: {  	_ =	shalt  }

</sc_bundles>
